<compile_context>
chip_gen: v7x
topology: tpu7x:2x2x1
jax: 0.10.2.dev20260603
libtpu: 0.0.44.dev20260713+nightly
codegen_flags: <defaults>
</compile_context>

<pallas_src>
import functools

import numpy as np
import jax
import jax.numpy as jnp
from jax import lax
from jax.experimental import pallas as pl
from jax.experimental.pallas import tpu as pltpu
from jax.experimental.pallas import tpu_sc as plsc

_VOCAB = 100000
_D = 128
_MAXLEN = 2048
_N_PARAM = 10000
_BATCH = 4
_SEQ = 2048
_EPS = 1e-12

_NC = 2
_NW = _NC * 16
_ROWS = _BATCH * _SEQ
_RPW = _ROWS // _NW
_GCH = 128
_NCH = _RPW // _GCH
_TCB = 2048


def _make_pe_np():
    k = np.arange(_MAXLEN, dtype=np.float32)[:, None]
    div = np.exp(
        np.arange(0, _D, 2, dtype=np.float32) * (-np.log(_N_PARAM) / _D)
    )
    pe = np.zeros((_MAXLEN, _D), dtype=np.float32)
    pe[:, 0::2] = np.sin(k * div)
    pe[:, 1::2] = np.cos(k * div)
    return pe


_PE = _make_pe_np()


def _sc_gather_body(ids_hbm, table_hbm, out_hbm, idx_v, rows_v,
                    g0, g1, wsem):
    gsems = [g0, g1]
    c = lax.axis_index("c")
    s = lax.axis_index("s")
    wid = s * _NC + c
    base = wid * _RPW
    b = base // _SEQ
    col = base % _SEQ

    for j in range(_NCH):
        pltpu.sync_copy(
            ids_hbm.at[b, pl.ds(col + j * _GCH, _GCH)], idx_v.at[j]
        )

    gathers = []
    for j in range(_NCH):
        gathers.append(
            pltpu.async_copy(
                table_hbm.at[idx_v.at[j]],
                rows_v.at[pl.ds(j * _GCH, _GCH)],
                gsems[j],
            )
        )
    writes = []
    for j in range(_NCH):
        gathers[j].wait()
        writes.append(
            pltpu.async_copy(
                rows_v.at[pl.ds(j * _GCH, _GCH)],
                out_hbm.at[pl.ds(base + j * _GCH, _GCH)],
                wsem,
            )
        )
    for w in writes:
        w.wait()


def _tc_ln_body(x_ref, pe_ref, g_ref, b_ref, o_ref):
    x = x_ref[...] + pe_ref[...]
    m = jnp.mean(x, axis=-1, keepdims=True)
    v = jnp.mean(x * x, axis=-1, keepdims=True) - m * m
    y = (x - m) * lax.rsqrt(v + jnp.float32(_EPS))
    o_ref[...] = y * g_ref[...] + b_ref[...]


@jax.jit
def _embed_ln(ids, table, pe, gamma, beta):
    mesh = plsc.VectorSubcoreMesh(
        core_axis_name="c", subcore_axis_name="s", num_cores=_NC
    )
    gathered = pl.kernel(
        _sc_gather_body,
        out_type=jax.ShapeDtypeStruct((_ROWS, _D), jnp.float32),
        mesh=mesh,
        scratch_types=[
            pltpu.VMEM((_NCH, _GCH), jnp.int32),
            pltpu.VMEM((_RPW, _D), jnp.float32),
            pltpu.SemaphoreType.DMA,
            pltpu.SemaphoreType.DMA,
            pltpu.SemaphoreType.DMA,
        ],
        compiler_params=pltpu.CompilerParams(needs_layout_passes=False),
    )(ids, table)

    return pl.pallas_call(
        _tc_ln_body,
        grid=(_ROWS // _TCB,),
        in_specs=[
            pl.BlockSpec((_TCB, _D), lambda i: (i, 0)),
            pl.BlockSpec((_SEQ, _D), lambda i: (0, 0)),
            pl.BlockSpec((1, _D), lambda i: (0, 0)),
            pl.BlockSpec((1, _D), lambda i: (0, 0)),
        ],
        out_specs=pl.BlockSpec((_TCB, _D), lambda i: (i, 0)),
        out_shape=jax.ShapeDtypeStruct((_ROWS, _D), jnp.float32),
    )(gathered, pe, gamma.reshape(1, _D), beta.reshape(1, _D))


def kernel(input_ids, table, gamma, beta):
    pe = jnp.asarray(_PE)
    out = _embed_ln(input_ids, table, pe, gamma, beta)
    return out.reshape(_BATCH, _SEQ, _D)

# --- scband reference (transcript-rebuilt; emitter-appended) ---
"""Pipeline reference for scband-embeddings-18657337933956 (READ-ONLY COPY).

The authoritative reference and input builder live on the scoring server;
editing this copy changes nothing except your own understanding.
"""

import jax, jax.numpy as jnp
import numpy as np

VOCAB = 100000
D = 128
MAXLEN = 2048
N_PARAM = 10000
BATCH = 4
SEQ = 2048
EPS = 1e-12


def make_pe(max_length, d, n):
    k = np.arange(max_length, dtype=np.float32)[:, None]
    div = np.exp(np.arange(0, d, 2, dtype=np.float32) * (-np.log(n) / d))
    pe = np.zeros((max_length, d), dtype=np.float32)
    pe[:, 0::2] = np.sin(k * div)
    pe[:, 1::2] = np.cos(k * div)
    return jnp.asarray(pe)


def setup_inputs(seed: int = 0):
    key = jax.random.key(seed)
    k1, k2 = jax.random.split(key, 2)
    input_ids = jax.random.randint(k1, (BATCH, SEQ), 0, VOCAB, dtype=jnp.int32)
    table = jax.random.normal(k2, (VOCAB, D), dtype=jnp.float32)
    gamma = jnp.ones((D,), dtype=jnp.float32)
    beta = jnp.zeros((D,), dtype=jnp.float32)
    return {"input_ids": input_ids, "table": table, "gamma": gamma, "beta": beta}


def reference(input_ids, table, gamma, beta):
    # token embedding lookup (gather)
    emb = jnp.take(table, input_ids, axis=0)
    # sine-cosine positional encoding (non-learned buffer)
    pe = make_pe(MAXLEN, D, N_PARAM)
    emb = emb + pe[None, :emb.shape[1], :]
    # LayerNorm(eps=1e-12)
    mean = jnp.mean(emb, axis=-1, keepdims=True)
    var = jnp.var(emb, axis=-1, keepdims=True)
    y = (emb - mean) / jnp.sqrt(var + EPS)
    y = y * gamma + beta
    # dropout is identity in eval/reference mode
    return y

if __name__ == "__main__":
    import jax
    _d = setup_inputs()
    print(jax.jit(kernel)(*tuple(_d.values())))

</pallas_src>

<mosaic_0001>
#map = affine_map<(d0, d1) -> (0, 0)>
module attributes {stable_mosaic.version = 14 : i64} {
  func.func @_sc_gather_body(%arg0: i32, %arg1: i32, %arg2: memref<4x2048xi32, #tpu.memory_space<hbm>>, %arg3: memref<100000x128xf32, #tpu.memory_space<hbm>>, %arg4: memref<8192x128xf32, #tpu.memory_space<hbm>>, %arg5: memref<2x128xi32, #tpu.memory_space<vmem>>, %arg6: memref<256x128xf32, #tpu.memory_space<vmem>>, %arg7: memref<!tpu.dma_semaphore, #tpu.memory_space<semaphore_mem>>, %arg8: memref<!tpu.dma_semaphore, #tpu.memory_space<semaphore_mem>>, %arg9: memref<!tpu.dma_semaphore, #tpu.memory_space<semaphore_mem>>) attributes {dimension_semantics = [#tpu.dimension_semantics<core_parallel>, #tpu.dimension_semantics<subcore_parallel>], iteration_bounds = array<i64: 2, 16>, scalar_prefetch = 0 : i64, scratch_operands = 5 : i64, tpu.core_type = #tpu.core_type<sc_vector_subcore>, window_params = [{transform_indices = #map}, {transform_indices = #map}, {transform_indices = #map}]} {
    %mul3A = arith.constant 2 : i32
    %mul3A_0 = arith.muli %arg1, %mul3A : i32
    %add3A = arith.addi %mul3A_0, %arg0 : i32
    %mul3A_1 = arith.constant 256 : i32
    %mul3A_2 = arith.muli %add3A, %mul3A_1 : i32
    %jit3A = arith.constant 2048 : i32
    %div3A = arith.divsi %mul3A_2, %jit3A : i32
    %sign3A = arith.constant 0 : i32
    %sign3A_3 = arith.cmpi sgt, %mul3A_2, %sign3A : i32
    %sign3A_4 = arith.extui %sign3A_3 : i1 to i32
    %sign3A_5 = arith.constant 0 : i32
    %sign3A_6 = arith.cmpi slt, %mul3A_2, %sign3A_5 : i32
    %sign3A_7 = arith.extui %sign3A_6 : i1 to i32
    %sign3A_8 = arith.subi %sign3A_4, %sign3A_7 : i32
    %sign3A_9 = arith.constant 0 : i32
    %sign3A_10 = arith.cmpi sgt, %jit3A, %sign3A_9 : i32
    %sign3A_11 = arith.extui %sign3A_10 : i1 to i32
    %sign3A_12 = arith.constant 0 : i32
    %sign3A_13 = arith.cmpi slt, %jit3A, %sign3A_12 : i32
    %sign3A_14 = arith.extui %sign3A_13 : i1 to i32
    %sign3A_15 = arith.subi %sign3A_11, %sign3A_14 : i32
    %ne3A = arith.cmpi ne, %sign3A_8, %sign3A_15 : i32
    %rem3A = arith.remsi %mul3A_2, %jit3A : i32
    %ne3A_16 = arith.constant 0 : i32
    %ne3A_17 = arith.cmpi ne, %rem3A, %ne3A_16 : i32
    %and3A = arith.andi %ne3A, %ne3A_17 : i1
    %sub3A = arith.constant 1 : i32
    %sub3A_18 = arith.subi %div3A, %sub3A : i32
    %select_n3A = arith.select %and3A, %sub3A_18, %div3A : i32
    %jit3A_19 = arith.constant 2048 : i32
    %eq3A = arith.constant 0 : i32
    %eq3A_20 = arith.cmpi eq, %jit3A_19, %eq3A : i32
    %jit3A_21 = arith.constant 1 : i32
    %select_n3A_22 = arith.select %eq3A_20, %jit3A_21, %jit3A_19 : i32
    %rem3A_23 = arith.remsi %mul3A_2, %select_n3A_22 : i32
    %ne3A_24 = arith.constant 0 : i32
    %ne3A_25 = arith.cmpi ne, %rem3A_23, %ne3A_24 : i32
    %lt3A = arith.constant 0 : i32
    %lt3A_26 = arith.cmpi slt, %rem3A_23, %lt3A : i32
    %lt3A_27 = arith.constant 0 : i32
    %lt3A_28 = arith.cmpi slt, %select_n3A_22, %lt3A_27 : i32
    %ne3A_29 = arith.xori %lt3A_26, %lt3A_28 : i1
    %and3A_30 = arith.andi %ne3A_29, %ne3A_25 : i1
    %add3A_31 = arith.addi %rem3A_23, %select_n3A_22 : i32
    %select_n3A_32 = arith.select %and3A_30, %add3A_31, %rem3A_23 : i32
    %add3A_33 = arith.constant 0 : i32
    %add3A_34 = arith.addi %select_n3A_32, %add3A_33 : i32
    %run_scoped3A = arith.constant 0 : i32
    "tpu.region"() ({
      %run_scoped3A_120 = tpu.sem_alloc : memref<!tpu.dma_semaphore, #tpu.memory_space<semaphore_mem>>
      %dma_start3A_121 = arith.constant 0 : i32
      %dma_start3A_122 = tpu.memref_slice %arg5[%run_scoped3A, %dma_start3A_121] : memref<2x128xi32, #tpu.memory_space<vmem>> -> memref<1x128xi32, #tpu.memory_space<vmem>>
      %dma_start3A_123 = tpu.memref_squeeze %dma_start3A_122 : memref<1x128xi32, #tpu.memory_space<vmem>> -> memref<128xi32, #tpu.memory_space<vmem>>
      %dma_start3A_124 = tpu.memref_slice %arg2[%select_n3A, %add3A_34] : memref<4x2048xi32, #tpu.memory_space<hbm>> -> memref<1x128xi32, #tpu.memory_space<hbm>>
      %dma_start3A_125 = tpu.memref_squeeze %dma_start3A_124 : memref<1x128xi32, #tpu.memory_space<hbm>> -> memref<128xi32, #tpu.memory_space<hbm>>
      %dma_start3A_126 = arith.constant 0 : i32
      %dma_start3A_127 = tpu.memref_slice %arg5[%run_scoped3A, %dma_start3A_126] : memref<2x128xi32, #tpu.memory_space<vmem>> -> memref<1x128xi32, #tpu.memory_space<vmem>>
      %dma_start3A_128 = tpu.memref_squeeze %dma_start3A_127 : memref<1x128xi32, #tpu.memory_space<vmem>> -> memref<128xi32, #tpu.memory_space<vmem>>
      %dma_start3A_129 = tpu.memref_slice %arg2[%select_n3A, %add3A_34] : memref<4x2048xi32, #tpu.memory_space<hbm>> -> memref<1x128xi32, #tpu.memory_space<hbm>>
      %dma_start3A_130 = tpu.memref_squeeze %dma_start3A_129 : memref<1x128xi32, #tpu.memory_space<hbm>> -> memref<128xi32, #tpu.memory_space<hbm>>
      tpu.enqueue_dma source(%dma_start3A_130 : memref<128xi32, #tpu.memory_space<hbm>>) target(%dma_start3A_128 : memref<128xi32, #tpu.memory_space<vmem>>) target_semaphore(%run_scoped3A_120 : memref<!tpu.dma_semaphore, #tpu.memory_space<semaphore_mem>>)
      %dma_wait3A_131 = arith.constant 0 : i32
      %dma_wait3A_132 = tpu.memref_slice %arg5[%run_scoped3A, %dma_wait3A_131] : memref<2x128xi32, #tpu.memory_space<vmem>> -> memref<1x128xi32, #tpu.memory_space<vmem>>
      %dma_wait3A_133 = tpu.memref_squeeze %dma_wait3A_132 : memref<1x128xi32, #tpu.memory_space<vmem>> -> memref<128xi32, #tpu.memory_space<vmem>>
      %dma_wait3A_134 = tpu.memref_slice %arg2[%select_n3A, %add3A_34] : memref<4x2048xi32, #tpu.memory_space<hbm>> -> memref<1x128xi32, #tpu.memory_space<hbm>>
      %dma_wait3A_135 = tpu.memref_squeeze %dma_wait3A_134 : memref<1x128xi32, #tpu.memory_space<hbm>> -> memref<128xi32, #tpu.memory_space<hbm>>
      %dma_wait3A_136 = arith.constant 0 : i32
      %dma_wait3A_137 = tpu.memref_slice %arg5[%run_scoped3A, %dma_wait3A_136] : memref<2x128xi32, #tpu.memory_space<vmem>> -> memref<1x128xi32, #tpu.memory_space<vmem>>
      %dma_wait3A_138 = tpu.memref_squeeze %dma_wait3A_137 : memref<1x128xi32, #tpu.memory_space<vmem>> -> memref<128xi32, #tpu.memory_space<vmem>>
      %dma_wait3A_139 = tpu.memref_slice %arg2[%select_n3A, %add3A_34] : memref<4x2048xi32, #tpu.memory_space<hbm>> -> memref<1x128xi32, #tpu.memory_space<hbm>>
      %dma_wait3A_140 = tpu.memref_squeeze %dma_wait3A_139 : memref<1x128xi32, #tpu.memory_space<hbm>> -> memref<128xi32, #tpu.memory_space<hbm>>
      tpu.wait_dma2 semaphore(%run_scoped3A_120 : memref<!tpu.dma_semaphore, #tpu.memory_space<semaphore_mem>>) src(%dma_wait3A_140 : memref<128xi32, #tpu.memory_space<hbm>>) dst(%dma_wait3A_138 : memref<128xi32, #tpu.memory_space<vmem>>)
      tpu.yield
    }) : () -> ()
    %add3A_35 = arith.constant 128 : i32
    %add3A_36 = arith.addi %select_n3A_32, %add3A_35 : i32
    %run_scoped3A_37 = arith.constant 1 : i32
    "tpu.region"() ({
      %run_scoped3A_120 = tpu.sem_alloc : memref<!tpu.dma_semaphore, #tpu.memory_space<semaphore_mem>>
      %dma_start3A_121 = arith.constant 0 : i32
      %dma_start3A_122 = tpu.memref_slice %arg5[%run_scoped3A_37, %dma_start3A_121] : memref<2x128xi32, #tpu.memory_space<vmem>> -> memref<1x128xi32, #tpu.memory_space<vmem>>
      %dma_start3A_123 = tpu.memref_squeeze %dma_start3A_122 : memref<1x128xi32, #tpu.memory_space<vmem>> -> memref<128xi32, #tpu.memory_space<vmem>>
      %dma_start3A_124 = tpu.memref_slice %arg2[%select_n3A, %add3A_36] : memref<4x2048xi32, #tpu.memory_space<hbm>> -> memref<1x128xi32, #tpu.memory_space<hbm>>
      %dma_start3A_125 = tpu.memref_squeeze %dma_start3A_124 : memref<1x128xi32, #tpu.memory_space<hbm>> -> memref<128xi32, #tpu.memory_space<hbm>>
      %dma_start3A_126 = arith.constant 0 : i32
      %dma_start3A_127 = tpu.memref_slice %arg5[%run_scoped3A_37, %dma_start3A_126] : memref<2x128xi32, #tpu.memory_space<vmem>> -> memref<1x128xi32, #tpu.memory_space<vmem>>
      %dma_start3A_128 = tpu.memref_squeeze %dma_start3A_127 : memref<1x128xi32, #tpu.memory_space<vmem>> -> memref<128xi32, #tpu.memory_space<vmem>>
      %dma_start3A_129 = tpu.memref_slice %arg2[%select_n3A, %add3A_36] : memref<4x2048xi32, #tpu.memory_space<hbm>> -> memref<1x128xi32, #tpu.memory_space<hbm>>
      %dma_start3A_130 = tpu.memref_squeeze %dma_start3A_129 : memref<1x128xi32, #tpu.memory_space<hbm>> -> memref<128xi32, #tpu.memory_space<hbm>>
      tpu.enqueue_dma source(%dma_start3A_130 : memref<128xi32, #tpu.memory_space<hbm>>) target(%dma_start3A_128 : memref<128xi32, #tpu.memory_space<vmem>>) target_semaphore(%run_scoped3A_120 : memref<!tpu.dma_semaphore, #tpu.memory_space<semaphore_mem>>)
      %dma_wait3A_131 = arith.constant 0 : i32
      %dma_wait3A_132 = tpu.memref_slice %arg5[%run_scoped3A_37, %dma_wait3A_131] : memref<2x128xi32, #tpu.memory_space<vmem>> -> memref<1x128xi32, #tpu.memory_space<vmem>>
      %dma_wait3A_133 = tpu.memref_squeeze %dma_wait3A_132 : memref<1x128xi32, #tpu.memory_space<vmem>> -> memref<128xi32, #tpu.memory_space<vmem>>
      %dma_wait3A_134 = tpu.memref_slice %arg2[%select_n3A, %add3A_36] : memref<4x2048xi32, #tpu.memory_space<hbm>> -> memref<1x128xi32, #tpu.memory_space<hbm>>
      %dma_wait3A_135 = tpu.memref_squeeze %dma_wait3A_134 : memref<1x128xi32, #tpu.memory_space<hbm>> -> memref<128xi32, #tpu.memory_space<hbm>>
      %dma_wait3A_136 = arith.constant 0 : i32
      %dma_wait3A_137 = tpu.memref_slice %arg5[%run_scoped3A_37, %dma_wait3A_136] : memref<2x128xi32, #tpu.memory_space<vmem>> -> memref<1x128xi32, #tpu.memory_space<vmem>>
      %dma_wait3A_138 = tpu.memref_squeeze %dma_wait3A_137 : memref<1x128xi32, #tpu.memory_space<vmem>> -> memref<128xi32, #tpu.memory_space<vmem>>
      %dma_wait3A_139 = tpu.memref_slice %arg2[%select_n3A, %add3A_36] : memref<4x2048xi32, #tpu.memory_space<hbm>> -> memref<1x128xi32, #tpu.memory_space<hbm>>
      %dma_wait3A_140 = tpu.memref_squeeze %dma_wait3A_139 : memref<1x128xi32, #tpu.memory_space<hbm>> -> memref<128xi32, #tpu.memory_space<hbm>>
      tpu.wait_dma2 semaphore(%run_scoped3A_120 : memref<!tpu.dma_semaphore, #tpu.memory_space<semaphore_mem>>) src(%dma_wait3A_140 : memref<128xi32, #tpu.memory_space<hbm>>) dst(%dma_wait3A_138 : memref<128xi32, #tpu.memory_space<vmem>>)
      tpu.yield
    }) : () -> ()
    %dma_start3A = arith.constant 0 : i32
    %dma_start3A_38 = arith.constant 0 : i32
    %dma_start3A_39 = arith.constant 0 : i32
    %dma_start3A_40 = tpu.memref_slice %arg6[%dma_start3A_38, %dma_start3A_39] : memref<256x128xf32, #tpu.memory_space<vmem>> -> memref<128x128xf32, #tpu.memory_space<vmem>>
    %dma_start3A_41 = arith.constant 0 : i32
    %dma_start3A_42 = tpu.memref_slice %arg5[%dma_start3A, %dma_start3A_41] : memref<2x128xi32, #tpu.memory_space<vmem>> -> memref<1x128xi32, #tpu.memory_space<vmem>>
    %dma_start3A_43 = tpu.memref_squeeze %dma_start3A_42 : memref<1x128xi32, #tpu.memory_space<vmem>> -> memref<128xi32, #tpu.memory_space<vmem>>
    %dma_start3A_44 = arith.constant 0 : i32
    %dma_start3A_45 = arith.constant 0 : i32
    %dma_start3A_46 = tpu.memref_slice %arg3[%dma_start3A_44, %dma_start3A_45] : memref<100000x128xf32, #tpu.memory_space<hbm>> -> memref<100000x128xf32, #tpu.memory_space<hbm>>
    tpu.enqueue_indirect_dma source(%dma_start3A_46 : memref<100000x128xf32, #tpu.memory_space<hbm>>) target(%dma_start3A_40 : memref<128x128xf32, #tpu.memory_space<vmem>>) offsets(%dma_start3A_43 : memref<128xi32, #tpu.memory_space<vmem>>) semaphore(%arg7 : memref<!tpu.dma_semaphore, #tpu.memory_space<semaphore_mem>>)
    %dma_start3A_47 = arith.constant 1 : i32
    %dma_start3A_48 = arith.constant 128 : i32
    %dma_start3A_49 = arith.constant 0 : i32
    %dma_start3A_50 = tpu.memref_slice %arg6[%dma_start3A_48, %dma_start3A_49] : memref<256x128xf32, #tpu.memory_space<vmem>> -> memref<128x128xf32, #tpu.memory_space<vmem>>
    %dma_start3A_51 = arith.constant 0 : i32
    %dma_start3A_52 = tpu.memref_slice %arg5[%dma_start3A_47, %dma_start3A_51] : memref<2x128xi32, #tpu.memory_space<vmem>> -> memref<1x128xi32, #tpu.memory_space<vmem>>
    %dma_start3A_53 = tpu.memref_squeeze %dma_start3A_52 : memref<1x128xi32, #tpu.memory_space<vmem>> -> memref<128xi32, #tpu.memory_space<vmem>>
    %dma_start3A_54 = arith.constant 0 : i32
    %dma_start3A_55 = arith.constant 0 : i32
    %dma_start3A_56 = tpu.memref_slice %arg3[%dma_start3A_54, %dma_start3A_55] : memref<100000x128xf32, #tpu.memory_space<hbm>> -> memref<100000x128xf32, #tpu.memory_space<hbm>>
    tpu.enqueue_indirect_dma source(%dma_start3A_56 : memref<100000x128xf32, #tpu.memory_space<hbm>>) target(%dma_start3A_50 : memref<128x128xf32, #tpu.memory_space<vmem>>) offsets(%dma_start3A_53 : memref<128xi32, #tpu.memory_space<vmem>>) semaphore(%arg8 : memref<!tpu.dma_semaphore, #tpu.memory_space<semaphore_mem>>)
    %dma_wait3A = arith.constant 0 : i32
    %dma_wait3A_57 = arith.constant 0 : i32
    %dma_wait3A_58 = arith.constant 0 : i32
    %dma_wait3A_59 = tpu.memref_slice %arg6[%dma_wait3A_57, %dma_wait3A_58] : memref<256x128xf32, #tpu.memory_space<vmem>> -> memref<128x128xf32, #tpu.memory_space<vmem>>
    %dma_wait3A_60 = arith.constant 0 : i32
    %dma_wait3A_61 = tpu.memref_slice %arg5[%dma_wait3A, %dma_wait3A_60] : memref<2x128xi32, #tpu.memory_space<vmem>> -> memref<1x128xi32, #tpu.memory_space<vmem>>
    %dma_wait3A_62 = tpu.memref_squeeze %dma_wait3A_61 : memref<1x128xi32, #tpu.memory_space<vmem>> -> memref<128xi32, #tpu.memory_space<vmem>>
    %dma_wait3A_63 = arith.constant 0 : i32
    %dma_wait3A_64 = arith.constant 0 : i32
    %dma_wait3A_65 = tpu.memref_slice %arg3[%dma_wait3A_63, %dma_wait3A_64] : memref<100000x128xf32, #tpu.memory_space<hbm>> -> memref<100000x128xf32, #tpu.memory_space<hbm>>
    tpu.wait_indirect_dma semaphore(%arg7 : memref<!tpu.dma_semaphore, #tpu.memory_space<semaphore_mem>>) src(%dma_wait3A_65 : memref<100000x128xf32, #tpu.memory_space<hbm>>) dst(%dma_wait3A_59 : memref<128x128xf32, #tpu.memory_space<vmem>>)
    %add3A_66 = arith.constant 0 : i32
    %add3A_67 = arith.addi %mul3A_2, %add3A_66 : i32
    %dma_start3A_68 = arith.constant 0 : i32
    %dma_start3A_69 = arith.constant 0 : i32
    %dma_start3A_70 = tpu.memref_slice %arg6[%dma_start3A_68, %dma_start3A_69] : memref<256x128xf32, #tpu.memory_space<vmem>> -> memref<128x128xf32, #tpu.memory_space<vmem>>
    %dma_start3A_71 = arith.constant 0 : i32
    %dma_start3A_72 = tpu.memref_slice %arg4[%add3A_67, %dma_start3A_71] : memref<8192x128xf32, #tpu.memory_space<hbm>> -> memref<128x128xf32, #tpu.memory_space<hbm>>
    %dma_start3A_73 = arith.constant 0 : i32
    %dma_start3A_74 = tpu.memref_slice %arg4[%add3A_67, %dma_start3A_73] : memref<8192x128xf32, #tpu.memory_space<hbm>> -> memref<128x128xf32, #tpu.memory_space<hbm>>
    %dma_start3A_75 = arith.constant 0 : i32
    %dma_start3A_76 = arith.constant 0 : i32
    %dma_start3A_77 = tpu.memref_slice %arg6[%dma_start3A_75, %dma_start3A_76] : memref<256x128xf32, #tpu.memory_space<vmem>> -> memref<128x128xf32, #tpu.memory_space<vmem>>
    tpu.enqueue_dma source(%dma_start3A_77 : memref<128x128xf32, #tpu.memory_space<vmem>>) target(%dma_start3A_74 : memref<128x128xf32, #tpu.memory_space<hbm>>) target_semaphore(%arg9 : memref<!tpu.dma_semaphore, #tpu.memory_space<semaphore_mem>>)
    %dma_wait3A_78 = arith.constant 1 : i32
    %dma_wait3A_79 = arith.constant 128 : i32
    %dma_wait3A_80 = arith.constant 0 : i32
    %dma_wait3A_81 = tpu.memref_slice %arg6[%dma_wait3A_79, %dma_wait3A_80] : memref<256x128xf32, #tpu.memory_space<vmem>> -> memref<128x128xf32, #tpu.memory_space<vmem>>
    %dma_wait3A_82 = arith.constant 0 : i32
    %dma_wait3A_83 = tpu.memref_slice %arg5[%dma_wait3A_78, %dma_wait3A_82] : memref<2x128xi32, #tpu.memory_space<vmem>> -> memref<1x128xi32, #tpu.memory_space<vmem>>
    %dma_wait3A_84 = tpu.memref_squeeze %dma_wait3A_83 : memref<1x128xi32, #tpu.memory_space<vmem>> -> memref<128xi32, #tpu.memory_space<vmem>>
    %dma_wait3A_85 = arith.constant 0 : i32
    %dma_wait3A_86 = arith.constant 0 : i32
    %dma_wait3A_87 = tpu.memref_slice %arg3[%dma_wait3A_85, %dma_wait3A_86] : memref<100000x128xf32, #tpu.memory_space<hbm>> -> memref<100000x128xf32, #tpu.memory_space<hbm>>
    tpu.wait_indirect_dma semaphore(%arg8 : memref<!tpu.dma_semaphore, #tpu.memory_space<semaphore_mem>>) src(%dma_wait3A_87 : memref<100000x128xf32, #tpu.memory_space<hbm>>) dst(%dma_wait3A_81 : memref<128x128xf32, #tpu.memory_space<vmem>>)
    %add3A_88 = arith.constant 128 : i32
    %add3A_89 = arith.addi %mul3A_2, %add3A_88 : i32
    %dma_start3A_90 = arith.constant 128 : i32
    %dma_start3A_91 = arith.constant 0 : i32
    %dma_start3A_92 = tpu.memref_slice %arg6[%dma_start3A_90, %dma_start3A_91] : memref<256x128xf32, #tpu.memory_space<vmem>> -> memref<128x128xf32, #tpu.memory_space<vmem>>
    %dma_start3A_93 = arith.constant 0 : i32
    %dma_start3A_94 = tpu.memref_slice %arg4[%add3A_89, %dma_start3A_93] : memref<8192x128xf32, #tpu.memory_space<hbm>> -> memref<128x128xf32, #tpu.memory_space<hbm>>
    %dma_start3A_95 = arith.constant 0 : i32
    %dma_start3A_96 = tpu.memref_slice %arg4[%add3A_89, %dma_start3A_95] : memref<8192x128xf32, #tpu.memory_space<hbm>> -> memref<128x128xf32, #tpu.memory_space<hbm>>
    %dma_start3A_97 = arith.constant 128 : i32
    %dma_start3A_98 = arith.constant 0 : i32
    %dma_start3A_99 = tpu.memref_slice %arg6[%dma_start3A_97, %dma_start3A_98] : memref<256x128xf32, #tpu.memory_space<vmem>> -> memref<128x128xf32, #tpu.memory_space<vmem>>
    tpu.enqueue_dma source(%dma_start3A_99 : memref<128x128xf32, #tpu.memory_space<vmem>>) target(%dma_start3A_96 : memref<128x128xf32, #tpu.memory_space<hbm>>) target_semaphore(%arg9 : memref<!tpu.dma_semaphore, #tpu.memory_space<semaphore_mem>>)
    %dma_wait3A_100 = arith.constant 0 : i32
    %dma_wait3A_101 = arith.constant 0 : i32
    %dma_wait3A_102 = tpu.memref_slice %arg6[%dma_wait3A_100, %dma_wait3A_101] : memref<256x128xf32, #tpu.memory_space<vmem>> -> memref<128x128xf32, #tpu.memory_space<vmem>>
    %dma_wait3A_103 = arith.constant 0 : i32
    %dma_wait3A_104 = tpu.memref_slice %arg4[%add3A_67, %dma_wait3A_103] : memref<8192x128xf32, #tpu.memory_space<hbm>> -> memref<128x128xf32, #tpu.memory_space<hbm>>
    %dma_wait3A_105 = arith.constant 0 : i32
    %dma_wait3A_106 = tpu.memref_slice %arg4[%add3A_67, %dma_wait3A_105] : memref<8192x128xf32, #tpu.memory_space<hbm>> -> memref<128x128xf32, #tpu.memory_space<hbm>>
    %dma_wait3A_107 = arith.constant 0 : i32
    %dma_wait3A_108 = arith.constant 0 : i32
    %dma_wait3A_109 = tpu.memref_slice %arg6[%dma_wait3A_107, %dma_wait3A_108] : memref<256x128xf32, #tpu.memory_space<vmem>> -> memref<128x128xf32, #tpu.memory_space<vmem>>
    tpu.wait_dma2 semaphore(%arg9 : memref<!tpu.dma_semaphore, #tpu.memory_space<semaphore_mem>>) src(%dma_wait3A_109 : memref<128x128xf32, #tpu.memory_space<vmem>>) dst(%dma_wait3A_106 : memref<128x128xf32, #tpu.memory_space<hbm>>)
    %dma_wait3A_110 = arith.constant 128 : i32
    %dma_wait3A_111 = arith.constant 0 : i32
    %dma_wait3A_112 = tpu.memref_slice %arg6[%dma_wait3A_110, %dma_wait3A_111] : memref<256x128xf32, #tpu.memory_space<vmem>> -> memref<128x128xf32, #tpu.memory_space<vmem>>
    %dma_wait3A_113 = arith.constant 0 : i32
    %dma_wait3A_114 = tpu.memref_slice %arg4[%add3A_89, %dma_wait3A_113] : memref<8192x128xf32, #tpu.memory_space<hbm>> -> memref<128x128xf32, #tpu.memory_space<hbm>>
    %dma_wait3A_115 = arith.constant 0 : i32
    %dma_wait3A_116 = tpu.memref_slice %arg4[%add3A_89, %dma_wait3A_115] : memref<8192x128xf32, #tpu.memory_space<hbm>> -> memref<128x128xf32, #tpu.memory_space<hbm>>
    %dma_wait3A_117 = arith.constant 128 : i32
    %dma_wait3A_118 = arith.constant 0 : i32
    %dma_wait3A_119 = tpu.memref_slice %arg6[%dma_wait3A_117, %dma_wait3A_118] : memref<256x128xf32, #tpu.memory_space<vmem>> -> memref<128x128xf32, #tpu.memory_space<vmem>>
    tpu.wait_dma2 semaphore(%arg9 : memref<!tpu.dma_semaphore, #tpu.memory_space<semaphore_mem>>) src(%dma_wait3A_119 : memref<128x128xf32, #tpu.memory_space<vmem>>) dst(%dma_wait3A_116 : memref<128x128xf32, #tpu.memory_space<hbm>>)
    return
  }
}

module attributes {stable_mosaic.version = 14 : i64} {
  func.func @_tc_ln_body(%arg0: i32, %arg1: memref<2048x128xf32, #tpu.memory_space<vmem>>, %arg2: memref<2048x128xf32, #tpu.memory_space<vmem>>, %arg3: memref<1x128xf32, #tpu.memory_space<vmem>>, %arg4: memref<1x128xf32, #tpu.memory_space<vmem>>, %arg5: memref<2048x128xf32, #tpu.memory_space<vmem>>) attributes {dimension_semantics = [#tpu.dimension_semantics<arbitrary>], iteration_bounds = array<i64: 4>, scalar_prefetch = 0 : i64, scratch_operands = 0 : i64, tpu.core_type = #tpu.core_type<tc>, window_params = [{transform_indices = @transform_0, window_bounds = array<i64: 2048, 128>}, {pipeline_mode = #tpu.pipeline_mode<synchronous>, transform_indices = @transform_1, window_bounds = array<i64: 2048, 128>}, {pipeline_mode = #tpu.pipeline_mode<synchronous>, transform_indices = @transform_2, window_bounds = array<i64: 1, 128>}, {pipeline_mode = #tpu.pipeline_mode<synchronous>, transform_indices = @transform_3, window_bounds = array<i64: 1, 128>}, {transform_indices = @transform_4, window_bounds = array<i64: 2048, 128>}]} {
    %get3A = arith.constant 0 : index
    %get3A_0 = arith.constant 0 : index
    %get3A_1 = vector.load %arg1[%get3A, %get3A_0] : memref<2048x128xf32, #tpu.memory_space<vmem>>, vector<2048x128xf32>
    %get3A_2 = arith.constant 0 : index
    %get3A_3 = arith.constant 0 : index
    %get3A_4 = vector.load %arg2[%get3A_2, %get3A_3] : memref<2048x128xf32, #tpu.memory_space<vmem>>, vector<2048x128xf32>
    %add3A = arith.addf %get3A_1, %get3A_4 : vector<2048x128xf32>
    %reduce_sum3A = arith.constant dense<0.000000e+00> : vector<2048xf32>
    %reduce_sum3A_5 = vector.multi_reduction <add>, %add3A, %reduce_sum3A [1] : vector<2048x128xf32> to vector<2048xf32>
    %broadcast_in_dim3A = vector.shape_cast %reduce_sum3A_5 : vector<2048xf32> to vector<2048x1xf32>
    %div3A = arith.constant 1.280000e+02 : f32
    %div3A_6 = vector.broadcast %div3A : f32 to vector<2048x1xf32>
    %div3A_7 = arith.divf %broadcast_in_dim3A, %div3A_6 : vector<2048x1xf32>
    %mul3A = arith.mulf %add3A, %add3A : vector<2048x128xf32>
    %reduce_sum3A_8 = arith.constant dense<0.000000e+00> : vector<2048xf32>
    %reduce_sum3A_9 = vector.multi_reduction <add>, %mul3A, %reduce_sum3A_8 [1] : vector<2048x128xf32> to vector<2048xf32>
    %broadcast_in_dim3A_10 = vector.shape_cast %reduce_sum3A_9 : vector<2048xf32> to vector<2048x1xf32>
    %div3A_11 = arith.constant 1.280000e+02 : f32
    %div3A_12 = vector.broadcast %div3A_11 : f32 to vector<2048x1xf32>
    %div3A_13 = arith.divf %broadcast_in_dim3A_10, %div3A_12 : vector<2048x1xf32>
    %mul3A_14 = arith.mulf %div3A_7, %div3A_7 : vector<2048x1xf32>
    %sub3A = arith.subf %div3A_13, %mul3A_14 : vector<2048x1xf32>
    %sub3A_15 = vector.broadcast %div3A_7 : vector<2048x1xf32> to vector<2048x128xf32>
    %sub3A_16 = arith.subf %add3A, %sub3A_15 : vector<2048x128xf32>
    %add3A_17 = arith.constant 9.99999996E-13 : f32
    %add3A_18 = vector.broadcast %add3A_17 : f32 to vector<2048x1xf32>
    %add3A_19 = arith.addf %sub3A, %add3A_18 : vector<2048x1xf32>
    %rsqrt3A = math.rsqrt %add3A_19 : vector<2048x1xf32>
    %mul3A_20 = vector.broadcast %rsqrt3A : vector<2048x1xf32> to vector<2048x128xf32>
    %mul3A_21 = arith.mulf %sub3A_16, %mul3A_20 : vector<2048x128xf32>
    %get3A_22 = arith.constant 0 : index
    %get3A_23 = arith.constant 0 : index
    %get3A_24 = vector.load %arg3[%get3A_22, %get3A_23] : memref<1x128xf32, #tpu.memory_space<vmem>>, vector<1x128xf32>
    %mul3A_25 = vector.broadcast %get3A_24 : vector<1x128xf32> to vector<2048x128xf32>
    %mul3A_26 = arith.mulf %mul3A_21, %mul3A_25 : vector<2048x128xf32>
    %get3A_27 = arith.constant 0 : index
    %get3A_28 = arith.constant 0 : index
    %get3A_29 = vector.load %arg4[%get3A_27, %get3A_28] : memref<1x128xf32, #tpu.memory_space<vmem>>, vector<1x128xf32>
    %add3A_30 = vector.broadcast %get3A_29 : vector<1x128xf32> to vector<2048x128xf32>
    %add3A_31 = arith.addf %mul3A_26, %add3A_30 : vector<2048x128xf32>
    %swap3A = arith.constant 0 : index
    %swap3A_32 = arith.constant 0 : index
    %swap3A_33 = vector.load %arg5[%swap3A, %swap3A_32] : memref<2048x128xf32, #tpu.memory_space<vmem>>, vector<2048x128xf32>
    tpu.vector_store %arg5[%swap3A, %swap3A_32], %add3A_31 {strides = array<i32>} : memref<2048x128xf32, #tpu.memory_space<vmem>>, vector<2048x128xf32>,
    return
  }
  func.func @transform_0(%arg0: i32) -> (i32, i32) {
    %c0_i32 = arith.constant 0 : i32
    %c0_i32_0 = arith.constant 0 : i32
    return %arg0, %c0_i32 : i32, i32
  }
  func.func @transform_1(%arg0: i32) -> (i32, i32) {
    %c0_i32 = arith.constant 0 : i32
    %c0_i32_0 = arith.constant 0 : i32
    %c0_i32_1 = arith.constant 0 : i32
    return %c0_i32, %c0_i32_0 : i32, i32
  }
  func.func @transform_2(%arg0: i32) -> (i32, i32) {
    %c0_i32 = arith.constant 0 : i32
    %c0_i32_0 = arith.constant 0 : i32
    %c0_i32_1 = arith.constant 0 : i32
    return %c0_i32, %c0_i32_0 : i32, i32
  }
  func.func @transform_3(%arg0: i32) -> (i32, i32) {
    %c0_i32 = arith.constant 0 : i32
    %c0_i32_0 = arith.constant 0 : i32
    %c0_i32_1 = arith.constant 0 : i32
    return %c0_i32, %c0_i32_0 : i32, i32
  }
  func.func @transform_4(%arg0: i32) -> (i32, i32) {
    %c0_i32 = arith.constant 0 : i32
    %c0_i32_0 = arith.constant 0 : i32
    return %arg0, %c0_i32 : i32, i32
  }
}

</mosaic_0001>

<sc_bundles>
// kernel: _embed_ln.4.cloned.1.call-start
scs
__scs_entry_jumppad:
0x0: {  	(pc) =	sbr.rel $0x88, $3  }
0x1: {  	(tag) =	ssettag $0x0;
	lr =	simm.s32 $0x1  }
0x2: {  	[smem:$0x3F9C] =	sst lr;
	_ =	strace $0xD0000000  }
0x3: {  	_ = 	snop  }
0x4: {  	_ = 	snop  }
0x5: {  	_ = 	snop  }
0x6: {  	_ = 	snop  }
0x7: {  	_ = 	snop  }
__scs_overlays_trampoline_lowered:
0x8: {  	[smem:$0x3FAB] =	sst s0  }
0x9: {  	[smem:$0x3FAC] =	sst s1  }
0xa: {  	[smem:$0x3FAD] =	sst s2  }
0xb: {  	[smem:$0x3FAE] =	sst s3  }
0xc: {  	[smem:$0x3FAF] =	sst s4  }
0xd: {  	[smem:$0x3FB0] =	sst s5  }
0xe: {  	[smem:$0x3FB1] =	sst s6  }
0xf: {  	[smem:$0x3FB2] =	sst s7  }
0x10: {  	[smem:$0x3FB3] =	sst s8  }
0x11: {  	[smem:$0x3FB4] =	sst s9;
	s0 =	simm.s32 @!p0 $0x0  }
0x12: {  	s1 =	sld [smem:$0x3F9A];
	s0 =	simm.s32 @p0 $0x1  }
0x13: {  	[smem:$0x3FB5] =	sst s0;
	s0 =	simm.s32 @!p1 $0x0  }
0x14: {  	s2 =	sld [smem:$0x3F99];
	s0 =	simm.s32 @p1 $0x1  }
0x15: {  	[smem:$0x3FB6] =	sst s0;
	s0 =	simm.s32 @!p2 $0x0  }
0x16: {  	s3 =	sld [smem:$0x3FDB];
	s0 =	simm.s32 @p2 $0x1  }
0x17: {  	s4 =	simm.s32 $0x1BF5;
	[smem:$0x3FB8] =	sst s0  }
0x18: {  	s0 =	sld [smem:$0x3F9B];
	_ =	swait.ge [sflag:s4], $0x0  }
0x19: {  	s7 =	sld [smem:$0x3F9C]  }
0x1a: {  	s8 =	sadd.s32 $0xFFFFE003, lr  }
0x1b: {  	s9 =	sadd.s32 $0xFFFFFEF7, lr;
	s5 =	simm.s32 $0xFFFFFFFF;
	p2 =	slt.u32 s8, $0xFFFFF086  }
0x1c: {  	p1 =	slt.u32 s9, $0xF7A;
	s5 =	simm.s32 @!p2 $0x0  }
0x1d: {  	s5 =	simm.s32 @p1 $0x1;
	p0 =	seq.s32 s7, s2  }
0x1e: {  	s7 =	smul.u32 @!p0 $0xF7A, s2;
	p2 =	seq.s32 @!p0 s5, $0x0  }
0x1f: {  	s9 =	smul.u32 $0xF7A, s1;
	s8 =	simm.s32 @!p0 $0x1BF5;
	p2 =	por !p2, p0  }
0x20: {  	[sflag:s8] =	ssyncset.s32 @!p0 $0xFFFFF086;
	s6 =	sadd.s32 @!p0 s3, s7;
	s7 =	simm.s32 @!p0 $0x108  }
0x21: {  	s3 =	sadd.s32 s3, s9;
	s6 =	sadd.s32 @!p0 $0x88, s6;
	s7 =	simm.s32 @p2 $0x1082  }
0x22: {  	[simem:s7], [sflag:s8] =	dma.local @!p0 [hbm:s6], $0xF7A  }
0x23: {  	s9 =	sor.u32 $0xD0000000, s2;
	s6 =	simm.s32 $0x108;
	_ =	swait.ge @!p0 [sflag:s8], $0x0  }
0x24: {  	s3 =	sadd.s32 $0x88, s3;
	s6 =	simm.s32 @!p1 $0x1082;
	[sflag:s4] =	ssyncset.s32 $0xFFFFF086  }
0x25: {  	[simem:s6], [sflag:s4] =	dma.local [hbm:s3], $0xF7A  }
0x26: {  	[smem:$0x3F9C] =	sst s1;
	(tag) =	ssettag s2;
	_ =	strace s9  }
0x27: {  	s1 =	sld [smem:$0x3FAC]  }
0x28: {  	s2 =	sld [smem:$0x3FAD]  }
0x29: {  	s4 =	sld [smem:$0x3FAF]  }
0x2a: {  	p0 =	seq.s32 s5, $0x0;
	s5 =	sld [smem:$0x3FB0]  }
0x2b: {  	s6 =	sld [smem:$0x3FB1]  }
0x2c: {  	s7 =	sld [smem:$0x3FB2]  }
0x2d: {  	s3 =	simm.s32 $0x108;
	s8 =	sld [smem:$0x3FB3]  }
0x2e: {  	s3 =	simm.s32 @!p0 $0x1082;
	s9 =	sld [smem:$0x3FB4]  }
0x2f: {  	lr =	sadd.s32 s0, s3;
	s0 =	sld [smem:$0x3FAB]  }
0x30: {  	s3 =	sld [smem:$0x3FAE]  }
0x31: {  	[smem:$0x3FB7] =	sst s10  }
0x32: {  	s10 =	sld [smem:$0x3FB5];
	_ =	sdelay $0x3  }
0x33: {  	p0 =	seq.s32 s10, $0x1;
	s10 =	sld [smem:$0x3FB7];
	_ =	sdelay $0x3  }
0x34: {  	[smem:$0x3FB7] =	sst s10  }
0x35: {  	s10 =	sld [smem:$0x3FB6];
	_ =	sdelay $0x3  }
0x36: {  	p1 =	seq.s32 s10, $0x1;
	s10 =	sld [smem:$0x3FB7];
	_ =	sdelay $0x3  }
0x37: {  	[smem:$0x3FB7] =	sst s10  }
0x38: {  	s10 =	sld [smem:$0x3FB8]  }
0x39: {  	_ = 	snop;
	(pc) =	sbr.ind lr, $3  }
0x3a: {  	_ = 	snop  }
0x3b: {  	_ = 	snop  }
0x3c: {  	p2 =	seq.s32 s10, $0x1;
	s10 =	sld [smem:$0x3FB7]  }
0x3d: {  	_ =	shalt  }
0x3e: {  	_ =	shalt  }
0x3f: {  	_ =	shalt  }
0x40: {  	_ =	shalt  }
0x41: {  	_ =	shalt  }
0x42: {  	_ =	shalt  }
0x43: {  	_ =	shalt  }
0x44: {  	_ =	shalt  }
0x45: {  	_ =	shalt  }
0x46: {  	_ =	shalt  }
0x47: {  	_ =	shalt  }
0x48: {  	_ =	shalt  }
0x49: {  	_ =	shalt  }
0x4a: {  	_ =	shalt  }
0x4b: {  	_ =	shalt  }
0x4c: {  	_ =	shalt  }
0x4d: {  	_ =	shalt  }
0x4e: {  	_ =	shalt  }
0x4f: {  	_ =	shalt  }
0x50: {  	_ =	shalt  }
0x51: {  	_ =	shalt  }
0x52: {  	_ =	shalt  }
0x53: {  	_ =	shalt  }
0x54: {  	_ =	shalt  }
0x55: {  	_ =	shalt  }
0x56: {  	_ =	shalt  }
0x57: {  	_ =	shalt  }
0x58: {  	_ =	shalt  }
0x59: {  	_ =	shalt  }
0x5a: {  	_ =	shalt  }
0x5b: {  	_ =	shalt  }
0x5c: {  	_ =	shalt  }
0x5d: {  	_ =	shalt  }
0x5e: {  	_ =	shalt  }
0x5f: {  	_ =	shalt  }
0x60: {  	_ =	shalt  }
0x61: {  	_ =	shalt  }
0x62: {  	_ =	shalt  }
0x63: {  	_ =	shalt  }
0x64: {  	_ =	shalt  }
0x65: {  	_ =	shalt  }
0x66: {  	_ =	shalt  }
0x67: {  	_ =	shalt  }
0x68: {  	_ =	shalt  }
0x69: {  	_ =	shalt  }
0x6a: {  	_ =	shalt  }
0x6b: {  	_ =	shalt  }
0x6c: {  	_ =	shalt  }
0x6d: {  	_ =	shalt  }
0x6e: {  	_ =	shalt  }
0x6f: {  	_ =	shalt  }
0x70: {  	_ =	shalt  }
0x71: {  	_ =	shalt  }
0x72: {  	_ =	shalt  }
0x73: {  	_ =	shalt  }
0x74: {  	_ =	shalt  }
0x75: {  	_ =	shalt  }
0x76: {  	_ =	shalt  }
0x77: {  	_ =	shalt  }
0x78: {  	_ =	shalt  }
0x79: {  	_ =	shalt  }
0x7a: {  	_ =	shalt  }
0x7b: {  	_ =	shalt  }
0x7c: {  	_ =	shalt  }
0x7d: {  	_ =	shalt  }
0x7e: {  	_ =	shalt  }
0x7f: {  	_ =	shalt  }
0x80: {  	_ =	shalt  }
0x81: {  	_ =	shalt  }
0x82: {  	_ =	shalt  }
0x83: {  	_ =	shalt  }
0x84: {  	_ =	shalt  }
0x85: {  	_ =	shalt  }
0x86: {  	_ =	shalt  }
0x87: {  	_ =	shalt  }
.Lfunc_end0:
.L_simem_size_0:
called_computation_lowered:
.L_overlay_start_0:
0x88: {  	s2 =	sld [smem:$0x3FD9]  }
0x89: {  	s3 =	sld [smem:$0x3FFE];
	_ =	sdelay $0x1  }
0x8a: {  	s1 =	srdreg.scid  }
0x8b: {  	s0 =	sand.u32 $0x1, s1  }
0x8c: {  	s18 =	sshll.u32 s0, $0xA;
	s2 =	sadd.s32 s3, s2  }
0x8d: {  	s2 =	sadd.s32 s2, s18  }
0x8e: {  	[smem:$0x3FC3] =	sst s2  }
0x8f: {  	_ = 	snop  }
0x90: {  	s2 =	sld [smem:$0x3FC9]  }
0x91: {  	s19 =	sld [smem:$0x3FC8]  }
0x92: {  	s4 =	sld [smem:$0x3FD0];
	(tm) =	ssettm $0x1  }
0x93: {  	s5 =	sld [smem:$0x3FFB];
	_ =	sdelay $0x3  }
0x94: {  	_ =	strace s5  }
0x95: {  	s5 =	sld [smem:$0x3FFC];
	_ =	sdelay $0x3  }
0x96: {  	_ =	strace s5  }
0x97: {  	s5 =	sld [smem:$0x3FFD];
	_ =	sdelay $0x3  }
0x98: {  	_ =	strace s5  }
0x99: {  	_ =	strace $0x8FFFFFFF  }
0x9a: {  	s20 =	sld [smem:$0x3FDB];
	_ =	sdelay $0x1  }
0x9b: {  	s6 =	simm.s32 $_scs_section_size  }
0x9c: {  	s7 =	simm.s32 $_size__tile_overlayer_lowered;
	s8 =	simm.s32 $_tile_overlayer_lowered  }
0x9d: {  	s23 =	simm.s32 $0x1BFF;
	s22 =	sshll.u32 s8, $0x1;
	s5 =	sadd.s32 s6, s20  }
0x9e: {  	s9 =	simm.s32 $0x0;
	s21 =	sshll.u32 s7, $0x1;
	s7 =	sadd.s32 s22, s5  }
0x9f: {  	[timem:s9], [sflag:s23] =	dma.local [hbm:s7], s21  }
0xa0: {  	_ =	swait.ge [sflag:s23], s21  }
0xa1: {  	s6 =	ssub.s32 $0x0, s21;
	[sflag:s23] =	ssyncset.done $0x0  }
0xa2: {  	[sflag:s23] =	ssyncadd.s32 s6;
	_ =	sdelay $0x1  }
0xa3: {  	s24 =	simm.s32 $0x1B8B  }
0xa4: {  	_ =	swait.ge [sflag:s24], $0x1  }
0xa5: {  	[sflag:s24] =	ssyncset.done $0x0  }
0xa6: {  	s25 =	simm.s32 $0x1B8E;
	[sflag:s24] =	ssyncadd.s32 $0xFFFFFFFF  }
0xa7: {  	s26 =	simm.s32 $execute0_lowered;
	[smem:$0x3FD2] =	sst s25  }
0xa8: {  	s6 =	sshll.u32 s26, $0x1;
	_ =	strace $0x80000046;
	[dreg:$0x1] =	wrdreg $0xFFFFFFFF  }
0xa9: {  	s28 =	simm.s32 $_size_execute0_lowered;
	s5 =	sadd.s32 s5, s6;
	[dreg:$0x0] =	wrdreg $0x0  }
0xaa: {  	s6 =	sshll.u32 s28, $0x1;
	[dreg:$0x2] =	wrdreg s5  }
0xab: {  	[dreg:$0x3] =	wrdreg s6  }
0xac: {  	[dreg:$0x4] =	wrdreg $0xC0  }
0xad: {  	_ =	task [dreg:s9], $0x5FFFF  }
0xae: {  	[dreg:$0x1] =	wrdreg $0xFFFFFFFF  }
0xaf: {  	[dreg:$0x0] =	wrdreg $0x60  }
0xb0: {  	[dreg:$0x2] =	wrdreg s2  }
0xb1: {  	[dreg:$0x3] =	wrdreg s19  }
0xb2: {  	[dreg:$0x4] =	wrdreg s4  }
0xb3: {  	[dreg:$0x5] =	wrdreg $0x9  }
0xb4: {  	_ =	task.clear_ibuf [dreg:s9], $0x6FFFF;
	_ =	strace $0x90000046  }
0xb5: {  	s29 =	simm.s32 $0x9;
	_ =	strace $0x80000048  }
0xb6: {  	_ =	swait.ge [sflag:s29], $0x1  }
0xb7: {  	[sflag:s29] =	ssyncadd.s32 $0xFFFFFFFF  }
0xb8: {  	_ =	strace $0x90000048  }
0xb9: {  	_ =	sfence  }
0xba: {  	s30 =	sld [smem:$0x0];
	_ =	sdelay $0x2  }
0xbb: {  	s31 =	sshll.u32 s1, $0xD;
	s1 =	sshrl.u32 s1, $0x2  }
0xbc: {  	s3 =	sand.u32 $0x4000, s31;
	s1 =	sadd.s32 s1, s30  }
0xbd: {  	s0 =	sor.u32 s3, s0;
	s1 =	sshll.u32 s1, $0x11  }
0xbe: {  	s0 =	sor.u32 s1, s0  }
0xbf: {  	s0 =	sadd.s32 $0x8F2B, s0  }
0xc0: {  	[sflag:s0] =	ssyncadd.remote.s32 $0x1  }
0xc1: {  	_ =	sfence.sel $0xFFFF  }
0xc2: {  	[dreg:$0x0] =	wrdreg $0xFFFFFFFF;
	(pc) =	sbr.abs _section_cstart, $3  }
0xc3: {  	[dreg:$0x1] =	wrdreg $0xFFFFFFFF  }
0xc4: {  	_ =	task.clear_ibuf [dreg:s9], $0x2FFFF;
	_ =	strace $0x9FFFFFFF  }
0xc5: {  	(tm) =	ssettm $0x7FFFFFFF  }
tec
execute0_lowered:
.L_overlay_start_1:
0x0: {  	(tag) =	ssettag $0x1  }
0x1: {  	s1 =	srdreg.scid  }
0x2: {  	s0 =	stileid.u32;
	s13 =	sand.u32 $0x1, s1  }
0x3: {  	s31 =	sshll.u32 s0, $0x9;
	s2 =	sshll.u32 s13, $0x8  }
0x4: {  	s4 =	rddreg [dreg:$0x0];
	s11 =	sor.u32 s2, s31  }
0x5: {  	s12 =	rddreg [dreg:$0x2];
	s3 =	sshll.u32 s0, $0x5;
	s1 =	sshll.u32 s11, $0x2  }
0x6: {  	s2 =	rddreg [dreg:$0x1];
	s5 =	sor.u32 s3, s1  }
0x7: {  	s1 =	rddreg [dreg:$0x3];
	s3 =	simm.s32 $0x0;
	s5 =	sand.u32 $0x1D80, s5  }
0x8: {  	[smem:$0x7FF] =	sst s3;
	s5 =	sshrl.u32 s5, $0x3  }
0x9: {  	_ =	strace $0x80000047;
	s4 =	sadd.s32 s4, s5;
	s5 =	simm.s32 $0x4  }
0xa: {  	[tilespmem:s3], [sflag:$0x4] =	stream.linear.gather [hbm4b:s4+s3], $0x80, $0x38;
	[tilespmem:$0x8100] =	vst v63  }
0xb: {  	_ =	swait.ge [sflag:s5], $0x80  }
0xc: {  	[sflag:s5] =	ssyncset.done $0x0  }
0xd: {  	s7 =	simm.s32 $0x80;
	s6 =	sadd.s32 $0x40, s4;
	[sflag:s5] =	ssyncadd.s32 $0xFFFFFF80  }
0xe: {  	[tilespmem:s7], [sflag:$0x4] =	stream.linear.gather [hbm4b:s6+s3], $0x80, $0x38;
	[tilespmem:$0x8100] =	vst v63  }
0xf: {  	_ =	swait.ge [sflag:s5], $0x80  }
0x10: {  	[sflag:s5] =	ssyncset.done $0x0  }
0x11: {  	s8 =	simm.s32 $0x100;
	[sflag:s5] =	ssyncadd.s32 $0xFFFFFF80  }
0x12: {  	[tilespmem:s8], [sflag:$0x1] =	stream.indirect.gather [hbm4b:s2+s7], $0x80, s3, s7, $0xb8;
	[tilespmem:$0x8100] =	vst v63  }
0x13: {  	s9 =	simm.s32 $0x4100;
	s10 =	simm.s32 $0x1  }
0x14: {  	[tilespmem:s9], [sflag:$0x2] =	stream.indirect.gather [hbm4b:s2+s7], $0x80, s7, s7, $0xb8;
	[tilespmem:$0x8100] =	vst v63  }
0x15: {  	s15 =	ssub.s32 $0x2, s13;
	_ =	swait.ge [sflag:s10], $0x4000  }
0x16: {  	s16 =	sshrl.u32 s15, $0x1;
	s11 =	sshll.u32 s11, $0x4;
	[sflag:s10] =	ssyncset.done $0x0  }
0x17: {  	s11 =	sadd.s32 s12, s11;
	s12 =	simm.s32 $0x2;
	[sflag:s10] =	ssyncadd.s32 $0xFFFFC000  }
0x18: {  	[hbm4b:s11+s3] =	stream.linear.scatter [tilespmem:s8], [sflag:$0x3], $0x4000, $0x38;
	[tilespmem:$0x8100] =	vst v63  }
0x19: {  	s15 =	ssub.s32 s15, s16;
	_ =	swait.ge [sflag:s12], $0x4000  }
0x1a: {  	s13 =	simm.s32 $0x3;
	s15 =	smax.u32 s15, $0x1;
	[sflag:s12] =	ssyncset.done $0x0  }
0x1b: {  	s14 =	sadd.s32 $0x800, s11;
	p0 =	sne.s32 s15, $0x1;
	[sflag:s12] =	ssyncadd.s32 $0xFFFFC000  }
0x1c: {  	[hbm4b:s14+s3] =	stream.linear.scatter [tilespmem:s9], [sflag:$0x3], $0x4000, $0x38;
	[tilespmem:$0x8100] =	vst v63  }
.Ltmp0:
0x1d: {  	_ =	swait.ge [sflag:s13], $0x4000;
	(pc) =	sbr.rel @!p0 .LBB2_2-.Ltmp0, $4  }
0x1e: {  	[sflag:s13] =	ssyncset.done $0x0  }
0x1f: {  	[sflag:s13] =	ssyncadd.s32 $0xFFFFC000  }
0x20: {  	_ =	swait.ge [sflag:s13], $0x4000  }
0x21: {  	s15 =	sadd.s32 $0xFFFFFFFF, s15;
	[sflag:s13] =	ssyncset.done $0x0  }
.LBB2_1:
0x22: {  	p0 =	sne.s32 s15, $0x1;
	s15 =	sadd.s32 $0xFFFFFFFF, s15;
	[sflag:s13] =	ssyncadd.s32 $0xFFFFC000  }
0x23: {  	[tilespmem:s3], [sflag:$0x4] =	stream.linear.gather [hbm4b:s4+s3], $0x80, $0x38;
	[tilespmem:$0x8100] =	vst v63  }
0x24: {  	_ =	swait.ge [sflag:s5], $0x80  }
0x25: {  	[sflag:s5] =	ssyncset.done $0x0  }
0x26: {  	[sflag:s5] =	ssyncadd.s32 $0xFFFFFF80  }
0x27: {  	[tilespmem:s7], [sflag:$0x4] =	stream.linear.gather [hbm4b:s6+s3], $0x80, $0x38;
	[tilespmem:$0x8100] =	vst v63  }
0x28: {  	_ =	swait.ge [sflag:s5], $0x80  }
0x29: {  	[sflag:s5] =	ssyncset.done $0x0  }
0x2a: {  	[sflag:s5] =	ssyncadd.s32 $0xFFFFFF80  }
0x2b: {  	[tilespmem:s8], [sflag:$0x1] =	stream.indirect.gather [hbm4b:s2+s7], $0x80, s3, s7, $0xb8;
	[tilespmem:$0x8100] =	vst v63  }
0x2c: {  	_ = 	snop  }
0x2d: {  	[tilespmem:s9], [sflag:$0x2] =	stream.indirect.gather [hbm4b:s2+s7], $0x80, s7, s7, $0xb8;
	[tilespmem:$0x8100] =	vst v63  }
0x2e: {  	_ =	swait.ge [sflag:s10], $0x4000  }
0x2f: {  	[sflag:s10] =	ssyncset.done $0x0  }
0x30: {  	[sflag:s10] =	ssyncadd.s32 $0xFFFFC000  }
0x31: {  	[hbm4b:s11+s3] =	stream.linear.scatter [tilespmem:s8], [sflag:$0x3], $0x4000, $0x38;
	[tilespmem:$0x8100] =	vst v63  }
0x32: {  	_ =	swait.ge [sflag:s12], $0x4000  }
0x33: {  	[sflag:s12] =	ssyncset.done $0x0  }
0x34: {  	[sflag:s12] =	ssyncadd.s32 $0xFFFFC000  }
0x35: {  	[hbm4b:s14+s3] =	stream.linear.scatter [tilespmem:s9], [sflag:$0x3], $0x4000, $0x38;
	[tilespmem:$0x8100] =	vst v63  }
.Ltmp1:
0x36: {  	_ =	swait.ge [sflag:s13], $0x4000;
	(pc) =	sbr.rel @p0 .LBB2_1-.Ltmp1, $4  }
0x37: {  	[sflag:s13] =	ssyncset.done $0x0  }
0x38: {  	[sflag:s13] =	ssyncadd.s32 $0xFFFFC000  }
0x39: {  	_ =	swait.ge [sflag:s13], $0x4000  }
0x3a: {  	[sflag:s13] =	ssyncset.done $0x0  }
.LBB2_2:
0x3b: {  	[sflag:s13] =	ssyncadd.s32 $0xFFFFC000  }
0x3c: {  	_ =	sfence.sel $0x180000  }
0x3d: {  	[bflag:$0x0] =	sbarrier.arrive $0xFFFF  }
0x3e: {  	p0 =	sne.s32 s0, $0x0;
	_ =	strace $0x90000047  }
0x3f: {  	s0 =	sadd.s32 @!p0 $0x100000, s1;
	[bflag:$0x2] =	sbarrier.arrive $0xFFFF  }
0x40: {  	[sflag:s0] =	ssyncadd.tile.s32 @!p0 $0x1;
	_ =	shalt  }
.Lfunc_end2:
_tile_overlayer_lowered:
.L_overlay_start_2:
0x41: {  	(tag) =	ssettag $0x2  }
0x42: {  	s0 =	rddreg [dreg:$0x0];
	s2 =	stileid.u32  }
0x43: {  	s1 =	rddreg [dreg:$0x1];
	p0 =	sne.s32 s2, $0x0  }
0x44: {  	s3 =	rddreg [dreg:$0x2];
	[bflag:$0x3] =	sbarrier.arrive $0xFFFF;
	s2 =	simm.s32 @!p0 $0x1C04  }
0x45: {  	[timem:s3], [sflag:s2] =	dma.local @!p0 [hbm:s0], s1  }
0x46: {  	s0 =	simm.s32 @!p0 $0x4  }
0x47: {  	_ =	swait.ge @!p0 [sflag:s0], s1  }
0x48: {  	s1 =	ssub.s32 @!p0 $0x0, s1;
	[sflag:s0] =	ssyncset.done @!p0 $0x0  }
0x49: {  	[sflag:s0] =	ssyncadd.s32 @!p0 s1  }
0x4a: {  	[bflag:$0x3] =	sbarrier.arrive $0xFFFF  }
0x4b: {  	_ =	shalt  }

</sc_bundles>
